<compile_context>
chip_gen: v7x
topology: tpu7x:2x2x1
jax: 0.10.2.dev20260603
libtpu: 0.0.44.dev20260713+nightly
codegen_flags: <defaults>
</compile_context>

<pallas_src>
import functools

import jax
import jax.numpy as jnp
from jax import lax
from jax.experimental import pallas as pl
from jax.experimental.pallas import tpu as pltpu
from jax.experimental.pallas import tpu_sc as plsc

_NUM_CORES = 2
_NUM_SUBCORES = 16
_NUM_WORKERS = _NUM_CORES * _NUM_SUBCORES
_A_CHUNK = 48
_A_NBUF = 2
_A_ROWS = 192
_B_CHUNK = 16
_B_NBUF = 2
_B_ROWS = 64


def kernel(inputs, pos_table):
    seq_len = inputs.shape[1]
    table_len, embed_dim = pos_table.shape
    rows_per_worker = seq_len // _NUM_WORKERS
    assert seq_len % _NUM_WORKERS == 0
    assert _A_ROWS + _B_ROWS == rows_per_worker
    na = _A_ROWS // _A_CHUNK
    nb = _B_ROWS // _B_CHUNK

    mesh = plsc.VectorSubcoreMesh(core_axis_name="c", subcore_axis_name="s")

    @functools.partial(
        pl.kernel,
        mesh=mesh,
        out_type=jax.ShapeDtypeStruct((seq_len, embed_dim), jnp.float32),
        scratch_types=[
            pltpu.VMEM((_A_NBUF, _A_CHUNK, embed_dim), jnp.float32),
            pltpu.VMEM_SHARED(
                (_NUM_SUBCORES, _B_NBUF, _B_CHUNK, embed_dim), jnp.float32
            ),
            pltpu.SemaphoreType.DMA,
            pltpu.SemaphoreType.DMA,
            pltpu.SemaphoreType.DMA,
            pltpu.SemaphoreType.DMA,
        ],
    )
    def copy_rows(table_hbm, out_hbm, tbuf, sbuf, sem_ta, sem_tb, sem_sa, sem_sb):
        sid = lax.axis_index("s")
        wid = sid * _NUM_CORES + lax.axis_index("c")
        base_a = wid * rows_per_worker
        base_b = base_a + _A_ROWS

        def a_in(i):
            return pltpu.async_copy(
                table_hbm.at[pl.ds(base_a + i * _A_CHUNK, _A_CHUNK)],
                tbuf.at[i % _A_NBUF],
                sem_ta,
            )

        def a_out(i):
            return pltpu.async_copy(
                tbuf.at[i % _A_NBUF],
                out_hbm.at[pl.ds(base_a + i * _A_CHUNK, _A_CHUNK)],
                sem_tb,
            )

        def b_in(i):
            return pltpu.async_copy(
                table_hbm.at[pl.ds(base_b + i * _B_CHUNK, _B_CHUNK)],
                sbuf.at[sid, i % _B_NBUF],
                sem_sa,
            )

        def b_out(i):
            return pltpu.async_copy(
                sbuf.at[sid, i % _B_NBUF],
                out_hbm.at[pl.ds(base_b + i * _B_CHUNK, _B_CHUNK)],
                sem_sb,
            )

        a_ins = [None] * na
        a_outs = [None] * na
        b_ins = [None] * nb
        b_outs = [None] * nb
        for i in range(min(_A_NBUF, na)):
            a_ins[i] = a_in(i)
        for i in range(min(_B_NBUF, nb)):
            b_ins[i] = b_in(i)
        for i in range(max(na, nb)):
            if i < nb:
                b_ins[i].wait()
                b_outs[i] = b_out(i)
            if i < na:
                a_ins[i].wait()
                a_outs[i] = a_out(i)
            if i + _B_NBUF < nb:
                b_outs[i].wait()
                b_ins[i + _B_NBUF] = b_in(i + _B_NBUF)
            if i + _A_NBUF < na:
                a_outs[i].wait()
                a_ins[i + _A_NBUF] = a_in(i + _A_NBUF)
        for i in range(max(na - _A_NBUF, 0), na):
            a_outs[i].wait()
        for i in range(max(nb - _B_NBUF, 0), nb):
            b_outs[i].wait()

    return copy_rows(pos_table)

# --- scband reference (transcript-rebuilt; emitter-appended) ---
"""Pipeline reference for scband-position-encoding-10505490006583 (READ-ONLY COPY).

The authoritative reference and input builder live on the scoring server;
editing this copy changes nothing except your own understanding.
"""

import jax, jax.numpy as jnp
import numpy as np

MAX_LEN = 8192
EMBED_DIM = 1024

def setup_inputs(seed: int = 0) -> dict:
    key = jax.random.key(seed)
    k1, k2 = jax.random.split(key)
    inputs = jax.random.normal(k1, (4, 8192, 1024), dtype=jnp.float32)
    # Keras Embedding default initializer is uniform(-0.05, 0.05)
    pos_table = jax.random.uniform(k2, (MAX_LEN, EMBED_DIM), dtype=jnp.float32, minval=-0.05, maxval=0.05)
    return {"inputs": inputs, "pos_table": pos_table}

def reference(inputs, pos_table):
    seq_len = inputs.shape[1]
    positions = jnp.arange(0, seq_len, dtype=jnp.int32)
    # embedding lookup: gather rows of the position table
    return jnp.take(pos_table, positions, axis=0)

if __name__ == "__main__":
    import jax
    _d = setup_inputs()
    print(jax.jit(kernel)(*tuple(_d.values())))

</pallas_src>

<mosaic_0001>
#map = affine_map<(d0, d1) -> (0, 0)>
module attributes {stable_mosaic.version = 14 : i64} {
  func.func @copy_rows(%arg0: i32, %arg1: i32, %arg2: memref<8192x1024xf32, #tpu.memory_space<hbm>>, %arg3: memref<8192x1024xf32, #tpu.memory_space<hbm>>, %arg4: memref<2x48x1024xf32, #tpu.memory_space<vmem>>, %arg5: memref<16x2x16x1024xf32, #tpu.memory_space<vmem_shared>>, %arg6: memref<!tpu.dma_semaphore, #tpu.memory_space<semaphore_mem>>, %arg7: memref<!tpu.dma_semaphore, #tpu.memory_space<semaphore_mem>>, %arg8: memref<!tpu.dma_semaphore, #tpu.memory_space<semaphore_mem>>, %arg9: memref<!tpu.dma_semaphore, #tpu.memory_space<semaphore_mem>>) attributes {dimension_semantics = [#tpu.dimension_semantics<core_parallel>, #tpu.dimension_semantics<subcore_parallel>], iteration_bounds = array<i64: 2, 16>, scalar_prefetch = 0 : i64, scratch_operands = 6 : i64, tpu.core_type = #tpu.core_type<sc_vector_subcore>, window_params = [{transform_indices = #map}, {transform_indices = #map}]} {
    %mul3A = arith.constant 2 : i32
    %mul3A_0 = arith.muli %arg1, %mul3A : i32
    %add3A = arith.addi %mul3A_0, %arg0 : i32
    %mul3A_1 = arith.constant 256 : i32
    %mul3A_2 = arith.muli %add3A, %mul3A_1 : i32
    %add3A_3 = arith.constant 192 : i32
    %add3A_4 = arith.addi %mul3A_2, %add3A_3 : i32
    %add3A_5 = arith.constant 0 : i32
    %add3A_6 = arith.addi %mul3A_2, %add3A_5 : i32
    %dma_start3A = arith.constant 0 : i32
    %dma_start3A_7 = arith.constant 0 : i32
    %dma_start3A_8 = arith.constant 0 : i32
    %dma_start3A_9 = tpu.memref_slice %arg4[%dma_start3A, %dma_start3A_7, %dma_start3A_8] : memref<2x48x1024xf32, #tpu.memory_space<vmem>> -> memref<1x48x1024xf32, #tpu.memory_space<vmem>>
    %dma_start3A_10 = tpu.memref_squeeze %dma_start3A_9 : memref<1x48x1024xf32, #tpu.memory_space<vmem>> -> memref<48x1024xf32, #tpu.memory_space<vmem>>
    %dma_start3A_11 = arith.constant 0 : i32
    %dma_start3A_12 = tpu.memref_slice %arg2[%add3A_6, %dma_start3A_11] : memref<8192x1024xf32, #tpu.memory_space<hbm>> -> memref<48x1024xf32, #tpu.memory_space<hbm>>
    %dma_start3A_13 = arith.constant 0 : i32
    %dma_start3A_14 = arith.constant 0 : i32
    %dma_start3A_15 = tpu.memref_slice %arg4[%dma_start3A, %dma_start3A_13, %dma_start3A_14] : memref<2x48x1024xf32, #tpu.memory_space<vmem>> -> memref<1x48x1024xf32, #tpu.memory_space<vmem>>
    %dma_start3A_16 = tpu.memref_squeeze %dma_start3A_15 : memref<1x48x1024xf32, #tpu.memory_space<vmem>> -> memref<48x1024xf32, #tpu.memory_space<vmem>>
    %dma_start3A_17 = arith.constant 0 : i32
    %dma_start3A_18 = tpu.memref_slice %arg2[%add3A_6, %dma_start3A_17] : memref<8192x1024xf32, #tpu.memory_space<hbm>> -> memref<48x1024xf32, #tpu.memory_space<hbm>>
    tpu.enqueue_dma source(%dma_start3A_18 : memref<48x1024xf32, #tpu.memory_space<hbm>>) target(%dma_start3A_16 : memref<48x1024xf32, #tpu.memory_space<vmem>>) target_semaphore(%arg6 : memref<!tpu.dma_semaphore, #tpu.memory_space<semaphore_mem>>)
    %add3A_19 = arith.constant 48 : i32
    %add3A_20 = arith.addi %mul3A_2, %add3A_19 : i32
    %dma_start3A_21 = arith.constant 1 : i32
    %dma_start3A_22 = arith.constant 0 : i32
    %dma_start3A_23 = arith.constant 0 : i32
    %dma_start3A_24 = tpu.memref_slice %arg4[%dma_start3A_21, %dma_start3A_22, %dma_start3A_23] : memref<2x48x1024xf32, #tpu.memory_space<vmem>> -> memref<1x48x1024xf32, #tpu.memory_space<vmem>>
    %dma_start3A_25 = tpu.memref_squeeze %dma_start3A_24 : memref<1x48x1024xf32, #tpu.memory_space<vmem>> -> memref<48x1024xf32, #tpu.memory_space<vmem>>
    %dma_start3A_26 = arith.constant 0 : i32
    %dma_start3A_27 = tpu.memref_slice %arg2[%add3A_20, %dma_start3A_26] : memref<8192x1024xf32, #tpu.memory_space<hbm>> -> memref<48x1024xf32, #tpu.memory_space<hbm>>
    %dma_start3A_28 = arith.constant 0 : i32
    %dma_start3A_29 = arith.constant 0 : i32
    %dma_start3A_30 = tpu.memref_slice %arg4[%dma_start3A_21, %dma_start3A_28, %dma_start3A_29] : memref<2x48x1024xf32, #tpu.memory_space<vmem>> -> memref<1x48x1024xf32, #tpu.memory_space<vmem>>
    %dma_start3A_31 = tpu.memref_squeeze %dma_start3A_30 : memref<1x48x1024xf32, #tpu.memory_space<vmem>> -> memref<48x1024xf32, #tpu.memory_space<vmem>>
    %dma_start3A_32 = arith.constant 0 : i32
    %dma_start3A_33 = tpu.memref_slice %arg2[%add3A_20, %dma_start3A_32] : memref<8192x1024xf32, #tpu.memory_space<hbm>> -> memref<48x1024xf32, #tpu.memory_space<hbm>>
    tpu.enqueue_dma source(%dma_start3A_33 : memref<48x1024xf32, #tpu.memory_space<hbm>>) target(%dma_start3A_31 : memref<48x1024xf32, #tpu.memory_space<vmem>>) target_semaphore(%arg6 : memref<!tpu.dma_semaphore, #tpu.memory_space<semaphore_mem>>)
    %add3A_34 = arith.constant 0 : i32
    %add3A_35 = arith.addi %add3A_4, %add3A_34 : i32
    %dma_start3A_36 = arith.constant 0 : i32
    %dma_start3A_37 = arith.constant 0 : i32
    %dma_start3A_38 = arith.constant 0 : i32
    %dma_start3A_39 = tpu.memref_slice %arg5[%arg1, %dma_start3A_36, %dma_start3A_37, %dma_start3A_38] : memref<16x2x16x1024xf32, #tpu.memory_space<vmem_shared>> -> memref<1x1x16x1024xf32, #tpu.memory_space<vmem_shared>>
    %dma_start3A_40 = tpu.memref_squeeze %dma_start3A_39 : memref<1x1x16x1024xf32, #tpu.memory_space<vmem_shared>> -> memref<16x1024xf32, #tpu.memory_space<vmem_shared>>
    %dma_start3A_41 = arith.constant 0 : i32
    %dma_start3A_42 = tpu.memref_slice %arg2[%add3A_35, %dma_start3A_41] : memref<8192x1024xf32, #tpu.memory_space<hbm>> -> memref<16x1024xf32, #tpu.memory_space<hbm>>
    tpu.enqueue_dma source(%dma_start3A_42 : memref<16x1024xf32, #tpu.memory_space<hbm>>) target(%dma_start3A_40 : memref<16x1024xf32, #tpu.memory_space<vmem_shared>>) target_semaphore(%arg8 : memref<!tpu.dma_semaphore, #tpu.memory_space<semaphore_mem>>)
    %add3A_43 = arith.constant 16 : i32
    %add3A_44 = arith.addi %add3A_4, %add3A_43 : i32
    %dma_start3A_45 = arith.constant 1 : i32
    %dma_start3A_46 = arith.constant 0 : i32
    %dma_start3A_47 = arith.constant 0 : i32
    %dma_start3A_48 = tpu.memref_slice %arg5[%arg1, %dma_start3A_45, %dma_start3A_46, %dma_start3A_47] : memref<16x2x16x1024xf32, #tpu.memory_space<vmem_shared>> -> memref<1x1x16x1024xf32, #tpu.memory_space<vmem_shared>>
    %dma_start3A_49 = tpu.memref_squeeze %dma_start3A_48 : memref<1x1x16x1024xf32, #tpu.memory_space<vmem_shared>> -> memref<16x1024xf32, #tpu.memory_space<vmem_shared>>
    %dma_start3A_50 = arith.constant 0 : i32
    %dma_start3A_51 = tpu.memref_slice %arg2[%add3A_44, %dma_start3A_50] : memref<8192x1024xf32, #tpu.memory_space<hbm>> -> memref<16x1024xf32, #tpu.memory_space<hbm>>
    tpu.enqueue_dma source(%dma_start3A_51 : memref<16x1024xf32, #tpu.memory_space<hbm>>) target(%dma_start3A_49 : memref<16x1024xf32, #tpu.memory_space<vmem_shared>>) target_semaphore(%arg8 : memref<!tpu.dma_semaphore, #tpu.memory_space<semaphore_mem>>)
    %dma_wait3A = arith.constant 0 : i32
    %dma_wait3A_52 = arith.constant 0 : i32
    %dma_wait3A_53 = arith.constant 0 : i32
    %dma_wait3A_54 = tpu.memref_slice %arg5[%arg1, %dma_wait3A, %dma_wait3A_52, %dma_wait3A_53] : memref<16x2x16x1024xf32, #tpu.memory_space<vmem_shared>> -> memref<1x1x16x1024xf32, #tpu.memory_space<vmem_shared>>
    %dma_wait3A_55 = tpu.memref_squeeze %dma_wait3A_54 : memref<1x1x16x1024xf32, #tpu.memory_space<vmem_shared>> -> memref<16x1024xf32, #tpu.memory_space<vmem_shared>>
    %dma_wait3A_56 = arith.constant 0 : i32
    %dma_wait3A_57 = tpu.memref_slice %arg2[%add3A_35, %dma_wait3A_56] : memref<8192x1024xf32, #tpu.memory_space<hbm>> -> memref<16x1024xf32, #tpu.memory_space<hbm>>
    tpu.wait_dma2 semaphore(%arg8 : memref<!tpu.dma_semaphore, #tpu.memory_space<semaphore_mem>>) src(%dma_wait3A_57 : memref<16x1024xf32, #tpu.memory_space<hbm>>) dst(%dma_wait3A_55 : memref<16x1024xf32, #tpu.memory_space<vmem_shared>>)
    %add3A_58 = arith.constant 0 : i32
    %add3A_59 = arith.addi %add3A_4, %add3A_58 : i32
    %dma_start3A_60 = arith.constant 0 : i32
    %dma_start3A_61 = arith.constant 0 : i32
    %dma_start3A_62 = tpu.memref_slice %arg3[%add3A_59, %dma_start3A_61] : memref<8192x1024xf32, #tpu.memory_space<hbm>> -> memref<16x1024xf32, #tpu.memory_space<hbm>>
    %dma_start3A_63 = arith.constant 0 : i32
    %dma_start3A_64 = arith.constant 0 : i32
    %dma_start3A_65 = tpu.memref_slice %arg5[%arg1, %dma_start3A_60, %dma_start3A_63, %dma_start3A_64] : memref<16x2x16x1024xf32, #tpu.memory_space<vmem_shared>> -> memref<1x1x16x1024xf32, #tpu.memory_space<vmem_shared>>
    %dma_start3A_66 = tpu.memref_squeeze %dma_start3A_65 : memref<1x1x16x1024xf32, #tpu.memory_space<vmem_shared>> -> memref<16x1024xf32, #tpu.memory_space<vmem_shared>>
    tpu.enqueue_dma source(%dma_start3A_66 : memref<16x1024xf32, #tpu.memory_space<vmem_shared>>) target(%dma_start3A_62 : memref<16x1024xf32, #tpu.memory_space<hbm>>) target_semaphore(%arg9 : memref<!tpu.dma_semaphore, #tpu.memory_space<semaphore_mem>>)
    %dma_wait3A_67 = arith.constant 0 : i32
    %dma_wait3A_68 = arith.constant 0 : i32
    %dma_wait3A_69 = arith.constant 0 : i32
    %dma_wait3A_70 = tpu.memref_slice %arg4[%dma_wait3A_67, %dma_wait3A_68, %dma_wait3A_69] : memref<2x48x1024xf32, #tpu.memory_space<vmem>> -> memref<1x48x1024xf32, #tpu.memory_space<vmem>>
    %dma_wait3A_71 = tpu.memref_squeeze %dma_wait3A_70 : memref<1x48x1024xf32, #tpu.memory_space<vmem>> -> memref<48x1024xf32, #tpu.memory_space<vmem>>
    %dma_wait3A_72 = arith.constant 0 : i32
    %dma_wait3A_73 = tpu.memref_slice %arg2[%add3A_6, %dma_wait3A_72] : memref<8192x1024xf32, #tpu.memory_space<hbm>> -> memref<48x1024xf32, #tpu.memory_space<hbm>>
    %dma_wait3A_74 = arith.constant 0 : i32
    %dma_wait3A_75 = arith.constant 0 : i32
    %dma_wait3A_76 = tpu.memref_slice %arg4[%dma_wait3A_67, %dma_wait3A_74, %dma_wait3A_75] : memref<2x48x1024xf32, #tpu.memory_space<vmem>> -> memref<1x48x1024xf32, #tpu.memory_space<vmem>>
    %dma_wait3A_77 = tpu.memref_squeeze %dma_wait3A_76 : memref<1x48x1024xf32, #tpu.memory_space<vmem>> -> memref<48x1024xf32, #tpu.memory_space<vmem>>
    %dma_wait3A_78 = arith.constant 0 : i32
    %dma_wait3A_79 = tpu.memref_slice %arg2[%add3A_6, %dma_wait3A_78] : memref<8192x1024xf32, #tpu.memory_space<hbm>> -> memref<48x1024xf32, #tpu.memory_space<hbm>>
    tpu.wait_dma2 semaphore(%arg6 : memref<!tpu.dma_semaphore, #tpu.memory_space<semaphore_mem>>) src(%dma_wait3A_79 : memref<48x1024xf32, #tpu.memory_space<hbm>>) dst(%dma_wait3A_77 : memref<48x1024xf32, #tpu.memory_space<vmem>>)
    %add3A_80 = arith.constant 0 : i32
    %add3A_81 = arith.addi %mul3A_2, %add3A_80 : i32
    %dma_start3A_82 = arith.constant 0 : i32
    %dma_start3A_83 = arith.constant 0 : i32
    %dma_start3A_84 = arith.constant 0 : i32
    %dma_start3A_85 = tpu.memref_slice %arg4[%dma_start3A_82, %dma_start3A_83, %dma_start3A_84] : memref<2x48x1024xf32, #tpu.memory_space<vmem>> -> memref<1x48x1024xf32, #tpu.memory_space<vmem>>
    %dma_start3A_86 = tpu.memref_squeeze %dma_start3A_85 : memref<1x48x1024xf32, #tpu.memory_space<vmem>> -> memref<48x1024xf32, #tpu.memory_space<vmem>>
    %dma_start3A_87 = arith.constant 0 : i32
    %dma_start3A_88 = tpu.memref_slice %arg3[%add3A_81, %dma_start3A_87] : memref<8192x1024xf32, #tpu.memory_space<hbm>> -> memref<48x1024xf32, #tpu.memory_space<hbm>>
    %dma_start3A_89 = arith.constant 0 : i32
    %dma_start3A_90 = tpu.memref_slice %arg3[%add3A_81, %dma_start3A_89] : memref<8192x1024xf32, #tpu.memory_space<hbm>> -> memref<48x1024xf32, #tpu.memory_space<hbm>>
    %dma_start3A_91 = arith.constant 0 : i32
    %dma_start3A_92 = arith.constant 0 : i32
    %dma_start3A_93 = tpu.memref_slice %arg4[%dma_start3A_82, %dma_start3A_91, %dma_start3A_92] : memref<2x48x1024xf32, #tpu.memory_space<vmem>> -> memref<1x48x1024xf32, #tpu.memory_space<vmem>>
    %dma_start3A_94 = tpu.memref_squeeze %dma_start3A_93 : memref<1x48x1024xf32, #tpu.memory_space<vmem>> -> memref<48x1024xf32, #tpu.memory_space<vmem>>
    tpu.enqueue_dma source(%dma_start3A_94 : memref<48x1024xf32, #tpu.memory_space<vmem>>) target(%dma_start3A_90 : memref<48x1024xf32, #tpu.memory_space<hbm>>) target_semaphore(%arg7 : memref<!tpu.dma_semaphore, #tpu.memory_space<semaphore_mem>>)
    %dma_wait3A_95 = arith.constant 0 : i32
    %dma_wait3A_96 = arith.constant 0 : i32
    %dma_wait3A_97 = tpu.memref_slice %arg3[%add3A_59, %dma_wait3A_96] : memref<8192x1024xf32, #tpu.memory_space<hbm>> -> memref<16x1024xf32, #tpu.memory_space<hbm>>
    %dma_wait3A_98 = arith.constant 0 : i32
    %dma_wait3A_99 = arith.constant 0 : i32
    %dma_wait3A_100 = tpu.memref_slice %arg5[%arg1, %dma_wait3A_95, %dma_wait3A_98, %dma_wait3A_99] : memref<16x2x16x1024xf32, #tpu.memory_space<vmem_shared>> -> memref<1x1x16x1024xf32, #tpu.memory_space<vmem_shared>>
    %dma_wait3A_101 = tpu.memref_squeeze %dma_wait3A_100 : memref<1x1x16x1024xf32, #tpu.memory_space<vmem_shared>> -> memref<16x1024xf32, #tpu.memory_space<vmem_shared>>
    tpu.wait_dma2 semaphore(%arg9 : memref<!tpu.dma_semaphore, #tpu.memory_space<semaphore_mem>>) src(%dma_wait3A_101 : memref<16x1024xf32, #tpu.memory_space<vmem_shared>>) dst(%dma_wait3A_97 : memref<16x1024xf32, #tpu.memory_space<hbm>>)
    %add3A_102 = arith.constant 32 : i32
    %add3A_103 = arith.addi %add3A_4, %add3A_102 : i32
    %dma_start3A_104 = arith.constant 0 : i32
    %dma_start3A_105 = arith.constant 0 : i32
    %dma_start3A_106 = arith.constant 0 : i32
    %dma_start3A_107 = tpu.memref_slice %arg5[%arg1, %dma_start3A_104, %dma_start3A_105, %dma_start3A_106] : memref<16x2x16x1024xf32, #tpu.memory_space<vmem_shared>> -> memref<1x1x16x1024xf32, #tpu.memory_space<vmem_shared>>
    %dma_start3A_108 = tpu.memref_squeeze %dma_start3A_107 : memref<1x1x16x1024xf32, #tpu.memory_space<vmem_shared>> -> memref<16x1024xf32, #tpu.memory_space<vmem_shared>>
    %dma_start3A_109 = arith.constant 0 : i32
    %dma_start3A_110 = tpu.memref_slice %arg2[%add3A_103, %dma_start3A_109] : memref<8192x1024xf32, #tpu.memory_space<hbm>> -> memref<16x1024xf32, #tpu.memory_space<hbm>>
    tpu.enqueue_dma source(%dma_start3A_110 : memref<16x1024xf32, #tpu.memory_space<hbm>>) target(%dma_start3A_108 : memref<16x1024xf32, #tpu.memory_space<vmem_shared>>) target_semaphore(%arg8 : memref<!tpu.dma_semaphore, #tpu.memory_space<semaphore_mem>>)
    %dma_wait3A_111 = arith.constant 0 : i32
    %dma_wait3A_112 = arith.constant 0 : i32
    %dma_wait3A_113 = arith.constant 0 : i32
    %dma_wait3A_114 = tpu.memref_slice %arg4[%dma_wait3A_111, %dma_wait3A_112, %dma_wait3A_113] : memref<2x48x1024xf32, #tpu.memory_space<vmem>> -> memref<1x48x1024xf32, #tpu.memory_space<vmem>>
    %dma_wait3A_115 = tpu.memref_squeeze %dma_wait3A_114 : memref<1x48x1024xf32, #tpu.memory_space<vmem>> -> memref<48x1024xf32, #tpu.memory_space<vmem>>
    %dma_wait3A_116 = arith.constant 0 : i32
    %dma_wait3A_117 = tpu.memref_slice %arg3[%add3A_81, %dma_wait3A_116] : memref<8192x1024xf32, #tpu.memory_space<hbm>> -> memref<48x1024xf32, #tpu.memory_space<hbm>>
    %dma_wait3A_118 = arith.constant 0 : i32
    %dma_wait3A_119 = tpu.memref_slice %arg3[%add3A_81, %dma_wait3A_118] : memref<8192x1024xf32, #tpu.memory_space<hbm>> -> memref<48x1024xf32, #tpu.memory_space<hbm>>
    %dma_wait3A_120 = arith.constant 0 : i32
    %dma_wait3A_121 = arith.constant 0 : i32
    %dma_wait3A_122 = tpu.memref_slice %arg4[%dma_wait3A_111, %dma_wait3A_120, %dma_wait3A_121] : memref<2x48x1024xf32, #tpu.memory_space<vmem>> -> memref<1x48x1024xf32, #tpu.memory_space<vmem>>
    %dma_wait3A_123 = tpu.memref_squeeze %dma_wait3A_122 : memref<1x48x1024xf32, #tpu.memory_space<vmem>> -> memref<48x1024xf32, #tpu.memory_space<vmem>>
    tpu.wait_dma2 semaphore(%arg7 : memref<!tpu.dma_semaphore, #tpu.memory_space<semaphore_mem>>) src(%dma_wait3A_123 : memref<48x1024xf32, #tpu.memory_space<vmem>>) dst(%dma_wait3A_119 : memref<48x1024xf32, #tpu.memory_space<hbm>>)
    %add3A_124 = arith.constant 96 : i32
    %add3A_125 = arith.addi %mul3A_2, %add3A_124 : i32
    %dma_start3A_126 = arith.constant 0 : i32
    %dma_start3A_127 = arith.constant 0 : i32
    %dma_start3A_128 = arith.constant 0 : i32
    %dma_start3A_129 = tpu.memref_slice %arg4[%dma_start3A_126, %dma_start3A_127, %dma_start3A_128] : memref<2x48x1024xf32, #tpu.memory_space<vmem>> -> memref<1x48x1024xf32, #tpu.memory_space<vmem>>
    %dma_start3A_130 = tpu.memref_squeeze %dma_start3A_129 : memref<1x48x1024xf32, #tpu.memory_space<vmem>> -> memref<48x1024xf32, #tpu.memory_space<vmem>>
    %dma_start3A_131 = arith.constant 0 : i32
    %dma_start3A_132 = tpu.memref_slice %arg2[%add3A_125, %dma_start3A_131] : memref<8192x1024xf32, #tpu.memory_space<hbm>> -> memref<48x1024xf32, #tpu.memory_space<hbm>>
    %dma_start3A_133 = arith.constant 0 : i32
    %dma_start3A_134 = arith.constant 0 : i32
    %dma_start3A_135 = tpu.memref_slice %arg4[%dma_start3A_126, %dma_start3A_133, %dma_start3A_134] : memref<2x48x1024xf32, #tpu.memory_space<vmem>> -> memref<1x48x1024xf32, #tpu.memory_space<vmem>>
    %dma_start3A_136 = tpu.memref_squeeze %dma_start3A_135 : memref<1x48x1024xf32, #tpu.memory_space<vmem>> -> memref<48x1024xf32, #tpu.memory_space<vmem>>
    %dma_start3A_137 = arith.constant 0 : i32
    %dma_start3A_138 = tpu.memref_slice %arg2[%add3A_125, %dma_start3A_137] : memref<8192x1024xf32, #tpu.memory_space<hbm>> -> memref<48x1024xf32, #tpu.memory_space<hbm>>
    tpu.enqueue_dma source(%dma_start3A_138 : memref<48x1024xf32, #tpu.memory_space<hbm>>) target(%dma_start3A_136 : memref<48x1024xf32, #tpu.memory_space<vmem>>) target_semaphore(%arg6 : memref<!tpu.dma_semaphore, #tpu.memory_space<semaphore_mem>>)
    %dma_wait3A_139 = arith.constant 1 : i32
    %dma_wait3A_140 = arith.constant 0 : i32
    %dma_wait3A_141 = arith.constant 0 : i32
    %dma_wait3A_142 = tpu.memref_slice %arg5[%arg1, %dma_wait3A_139, %dma_wait3A_140, %dma_wait3A_141] : memref<16x2x16x1024xf32, #tpu.memory_space<vmem_shared>> -> memref<1x1x16x1024xf32, #tpu.memory_space<vmem_shared>>
    %dma_wait3A_143 = tpu.memref_squeeze %dma_wait3A_142 : memref<1x1x16x1024xf32, #tpu.memory_space<vmem_shared>> -> memref<16x1024xf32, #tpu.memory_space<vmem_shared>>
    %dma_wait3A_144 = arith.constant 0 : i32
    %dma_wait3A_145 = tpu.memref_slice %arg2[%add3A_44, %dma_wait3A_144] : memref<8192x1024xf32, #tpu.memory_space<hbm>> -> memref<16x1024xf32, #tpu.memory_space<hbm>>
    tpu.wait_dma2 semaphore(%arg8 : memref<!tpu.dma_semaphore, #tpu.memory_space<semaphore_mem>>) src(%dma_wait3A_145 : memref<16x1024xf32, #tpu.memory_space<hbm>>) dst(%dma_wait3A_143 : memref<16x1024xf32, #tpu.memory_space<vmem_shared>>)
    %add3A_146 = arith.constant 16 : i32
    %add3A_147 = arith.addi %add3A_4, %add3A_146 : i32
    %dma_start3A_148 = arith.constant 1 : i32
    %dma_start3A_149 = arith.constant 0 : i32
    %dma_start3A_150 = tpu.memref_slice %arg3[%add3A_147, %dma_start3A_149] : memref<8192x1024xf32, #tpu.memory_space<hbm>> -> memref<16x1024xf32, #tpu.memory_space<hbm>>
    %dma_start3A_151 = arith.constant 0 : i32
    %dma_start3A_152 = arith.constant 0 : i32
    %dma_start3A_153 = tpu.memref_slice %arg5[%arg1, %dma_start3A_148, %dma_start3A_151, %dma_start3A_152] : memref<16x2x16x1024xf32, #tpu.memory_space<vmem_shared>> -> memref<1x1x16x1024xf32, #tpu.memory_space<vmem_shared>>
    %dma_start3A_154 = tpu.memref_squeeze %dma_start3A_153 : memref<1x1x16x1024xf32, #tpu.memory_space<vmem_shared>> -> memref<16x1024xf32, #tpu.memory_space<vmem_shared>>
    tpu.enqueue_dma source(%dma_start3A_154 : memref<16x1024xf32, #tpu.memory_space<vmem_shared>>) target(%dma_start3A_150 : memref<16x1024xf32, #tpu.memory_space<hbm>>) target_semaphore(%arg9 : memref<!tpu.dma_semaphore, #tpu.memory_space<semaphore_mem>>)
    %dma_wait3A_155 = arith.constant 1 : i32
    %dma_wait3A_156 = arith.constant 0 : i32
    %dma_wait3A_157 = arith.constant 0 : i32
    %dma_wait3A_158 = tpu.memref_slice %arg4[%dma_wait3A_155, %dma_wait3A_156, %dma_wait3A_157] : memref<2x48x1024xf32, #tpu.memory_space<vmem>> -> memref<1x48x1024xf32, #tpu.memory_space<vmem>>
    %dma_wait3A_159 = tpu.memref_squeeze %dma_wait3A_158 : memref<1x48x1024xf32, #tpu.memory_space<vmem>> -> memref<48x1024xf32, #tpu.memory_space<vmem>>
    %dma_wait3A_160 = arith.constant 0 : i32
    %dma_wait3A_161 = tpu.memref_slice %arg2[%add3A_20, %dma_wait3A_160] : memref<8192x1024xf32, #tpu.memory_space<hbm>> -> memref<48x1024xf32, #tpu.memory_space<hbm>>
    %dma_wait3A_162 = arith.constant 0 : i32
    %dma_wait3A_163 = arith.constant 0 : i32
    %dma_wait3A_164 = tpu.memref_slice %arg4[%dma_wait3A_155, %dma_wait3A_162, %dma_wait3A_163] : memref<2x48x1024xf32, #tpu.memory_space<vmem>> -> memref<1x48x1024xf32, #tpu.memory_space<vmem>>
    %dma_wait3A_165 = tpu.memref_squeeze %dma_wait3A_164 : memref<1x48x1024xf32, #tpu.memory_space<vmem>> -> memref<48x1024xf32, #tpu.memory_space<vmem>>
    %dma_wait3A_166 = arith.constant 0 : i32
    %dma_wait3A_167 = tpu.memref_slice %arg2[%add3A_20, %dma_wait3A_166] : memref<8192x1024xf32, #tpu.memory_space<hbm>> -> memref<48x1024xf32, #tpu.memory_space<hbm>>
    tpu.wait_dma2 semaphore(%arg6 : memref<!tpu.dma_semaphore, #tpu.memory_space<semaphore_mem>>) src(%dma_wait3A_167 : memref<48x1024xf32, #tpu.memory_space<hbm>>) dst(%dma_wait3A_165 : memref<48x1024xf32, #tpu.memory_space<vmem>>)
    %add3A_168 = arith.constant 48 : i32
    %add3A_169 = arith.addi %mul3A_2, %add3A_168 : i32
    %dma_start3A_170 = arith.constant 1 : i32
    %dma_start3A_171 = arith.constant 0 : i32
    %dma_start3A_172 = arith.constant 0 : i32
    %dma_start3A_173 = tpu.memref_slice %arg4[%dma_start3A_170, %dma_start3A_171, %dma_start3A_172] : memref<2x48x1024xf32, #tpu.memory_space<vmem>> -> memref<1x48x1024xf32, #tpu.memory_space<vmem>>
    %dma_start3A_174 = tpu.memref_squeeze %dma_start3A_173 : memref<1x48x1024xf32, #tpu.memory_space<vmem>> -> memref<48x1024xf32, #tpu.memory_space<vmem>>
    %dma_start3A_175 = arith.constant 0 : i32
    %dma_start3A_176 = tpu.memref_slice %arg3[%add3A_169, %dma_start3A_175] : memref<8192x1024xf32, #tpu.memory_space<hbm>> -> memref<48x1024xf32, #tpu.memory_space<hbm>>
    %dma_start3A_177 = arith.constant 0 : i32
    %dma_start3A_178 = tpu.memref_slice %arg3[%add3A_169, %dma_start3A_177] : memref<8192x1024xf32, #tpu.memory_space<hbm>> -> memref<48x1024xf32, #tpu.memory_space<hbm>>
    %dma_start3A_179 = arith.constant 0 : i32
    %dma_start3A_180 = arith.constant 0 : i32
    %dma_start3A_181 = tpu.memref_slice %arg4[%dma_start3A_170, %dma_start3A_179, %dma_start3A_180] : memref<2x48x1024xf32, #tpu.memory_space<vmem>> -> memref<1x48x1024xf32, #tpu.memory_space<vmem>>
    %dma_start3A_182 = tpu.memref_squeeze %dma_start3A_181 : memref<1x48x1024xf32, #tpu.memory_space<vmem>> -> memref<48x1024xf32, #tpu.memory_space<vmem>>
    tpu.enqueue_dma source(%dma_start3A_182 : memref<48x1024xf32, #tpu.memory_space<vmem>>) target(%dma_start3A_178 : memref<48x1024xf32, #tpu.memory_space<hbm>>) target_semaphore(%arg7 : memref<!tpu.dma_semaphore, #tpu.memory_space<semaphore_mem>>)
    %dma_wait3A_183 = arith.constant 1 : i32
    %dma_wait3A_184 = arith.constant 0 : i32
    %dma_wait3A_185 = tpu.memref_slice %arg3[%add3A_147, %dma_wait3A_184] : memref<8192x1024xf32, #tpu.memory_space<hbm>> -> memref<16x1024xf32, #tpu.memory_space<hbm>>
    %dma_wait3A_186 = arith.constant 0 : i32
    %dma_wait3A_187 = arith.constant 0 : i32
    %dma_wait3A_188 = tpu.memref_slice %arg5[%arg1, %dma_wait3A_183, %dma_wait3A_186, %dma_wait3A_187] : memref<16x2x16x1024xf32, #tpu.memory_space<vmem_shared>> -> memref<1x1x16x1024xf32, #tpu.memory_space<vmem_shared>>
    %dma_wait3A_189 = tpu.memref_squeeze %dma_wait3A_188 : memref<1x1x16x1024xf32, #tpu.memory_space<vmem_shared>> -> memref<16x1024xf32, #tpu.memory_space<vmem_shared>>
    tpu.wait_dma2 semaphore(%arg9 : memref<!tpu.dma_semaphore, #tpu.memory_space<semaphore_mem>>) src(%dma_wait3A_189 : memref<16x1024xf32, #tpu.memory_space<vmem_shared>>) dst(%dma_wait3A_185 : memref<16x1024xf32, #tpu.memory_space<hbm>>)
    %add3A_190 = arith.constant 48 : i32
    %add3A_191 = arith.addi %add3A_4, %add3A_190 : i32
    %dma_start3A_192 = arith.constant 1 : i32
    %dma_start3A_193 = arith.constant 0 : i32
    %dma_start3A_194 = arith.constant 0 : i32
    %dma_start3A_195 = tpu.memref_slice %arg5[%arg1, %dma_start3A_192, %dma_start3A_193, %dma_start3A_194] : memref<16x2x16x1024xf32, #tpu.memory_space<vmem_shared>> -> memref<1x1x16x1024xf32, #tpu.memory_space<vmem_shared>>
    %dma_start3A_196 = tpu.memref_squeeze %dma_start3A_195 : memref<1x1x16x1024xf32, #tpu.memory_space<vmem_shared>> -> memref<16x1024xf32, #tpu.memory_space<vmem_shared>>
    %dma_start3A_197 = arith.constant 0 : i32
    %dma_start3A_198 = tpu.memref_slice %arg2[%add3A_191, %dma_start3A_197] : memref<8192x1024xf32, #tpu.memory_space<hbm>> -> memref<16x1024xf32, #tpu.memory_space<hbm>>
    tpu.enqueue_dma source(%dma_start3A_198 : memref<16x1024xf32, #tpu.memory_space<hbm>>) target(%dma_start3A_196 : memref<16x1024xf32, #tpu.memory_space<vmem_shared>>) target_semaphore(%arg8 : memref<!tpu.dma_semaphore, #tpu.memory_space<semaphore_mem>>)
    %dma_wait3A_199 = arith.constant 1 : i32
    %dma_wait3A_200 = arith.constant 0 : i32
    %dma_wait3A_201 = arith.constant 0 : i32
    %dma_wait3A_202 = tpu.memref_slice %arg4[%dma_wait3A_199, %dma_wait3A_200, %dma_wait3A_201] : memref<2x48x1024xf32, #tpu.memory_space<vmem>> -> memref<1x48x1024xf32, #tpu.memory_space<vmem>>
    %dma_wait3A_203 = tpu.memref_squeeze %dma_wait3A_202 : memref<1x48x1024xf32, #tpu.memory_space<vmem>> -> memref<48x1024xf32, #tpu.memory_space<vmem>>
    %dma_wait3A_204 = arith.constant 0 : i32
    %dma_wait3A_205 = tpu.memref_slice %arg3[%add3A_169, %dma_wait3A_204] : memref<8192x1024xf32, #tpu.memory_space<hbm>> -> memref<48x1024xf32, #tpu.memory_space<hbm>>
    %dma_wait3A_206 = arith.constant 0 : i32
    %dma_wait3A_207 = tpu.memref_slice %arg3[%add3A_169, %dma_wait3A_206] : memref<8192x1024xf32, #tpu.memory_space<hbm>> -> memref<48x1024xf32, #tpu.memory_space<hbm>>
    %dma_wait3A_208 = arith.constant 0 : i32
    %dma_wait3A_209 = arith.constant 0 : i32
    %dma_wait3A_210 = tpu.memref_slice %arg4[%dma_wait3A_199, %dma_wait3A_208, %dma_wait3A_209] : memref<2x48x1024xf32, #tpu.memory_space<vmem>> -> memref<1x48x1024xf32, #tpu.memory_space<vmem>>
    %dma_wait3A_211 = tpu.memref_squeeze %dma_wait3A_210 : memref<1x48x1024xf32, #tpu.memory_space<vmem>> -> memref<48x1024xf32, #tpu.memory_space<vmem>>
    tpu.wait_dma2 semaphore(%arg7 : memref<!tpu.dma_semaphore, #tpu.memory_space<semaphore_mem>>) src(%dma_wait3A_211 : memref<48x1024xf32, #tpu.memory_space<vmem>>) dst(%dma_wait3A_207 : memref<48x1024xf32, #tpu.memory_space<hbm>>)
    %add3A_212 = arith.constant 144 : i32
    %add3A_213 = arith.addi %mul3A_2, %add3A_212 : i32
    %dma_start3A_214 = arith.constant 1 : i32
    %dma_start3A_215 = arith.constant 0 : i32
    %dma_start3A_216 = arith.constant 0 : i32
    %dma_start3A_217 = tpu.memref_slice %arg4[%dma_start3A_214, %dma_start3A_215, %dma_start3A_216] : memref<2x48x1024xf32, #tpu.memory_space<vmem>> -> memref<1x48x1024xf32, #tpu.memory_space<vmem>>
    %dma_start3A_218 = tpu.memref_squeeze %dma_start3A_217 : memref<1x48x1024xf32, #tpu.memory_space<vmem>> -> memref<48x1024xf32, #tpu.memory_space<vmem>>
    %dma_start3A_219 = arith.constant 0 : i32
    %dma_start3A_220 = tpu.memref_slice %arg2[%add3A_213, %dma_start3A_219] : memref<8192x1024xf32, #tpu.memory_space<hbm>> -> memref<48x1024xf32, #tpu.memory_space<hbm>>
    %dma_start3A_221 = arith.constant 0 : i32
    %dma_start3A_222 = arith.constant 0 : i32
    %dma_start3A_223 = tpu.memref_slice %arg4[%dma_start3A_214, %dma_start3A_221, %dma_start3A_222] : memref<2x48x1024xf32, #tpu.memory_space<vmem>> -> memref<1x48x1024xf32, #tpu.memory_space<vmem>>
    %dma_start3A_224 = tpu.memref_squeeze %dma_start3A_223 : memref<1x48x1024xf32, #tpu.memory_space<vmem>> -> memref<48x1024xf32, #tpu.memory_space<vmem>>
    %dma_start3A_225 = arith.constant 0 : i32
    %dma_start3A_226 = tpu.memref_slice %arg2[%add3A_213, %dma_start3A_225] : memref<8192x1024xf32, #tpu.memory_space<hbm>> -> memref<48x1024xf32, #tpu.memory_space<hbm>>
    tpu.enqueue_dma source(%dma_start3A_226 : memref<48x1024xf32, #tpu.memory_space<hbm>>) target(%dma_start3A_224 : memref<48x1024xf32, #tpu.memory_space<vmem>>) target_semaphore(%arg6 : memref<!tpu.dma_semaphore, #tpu.memory_space<semaphore_mem>>)
    %dma_wait3A_227 = arith.constant 0 : i32
    %dma_wait3A_228 = arith.constant 0 : i32
    %dma_wait3A_229 = arith.constant 0 : i32
    %dma_wait3A_230 = tpu.memref_slice %arg5[%arg1, %dma_wait3A_227, %dma_wait3A_228, %dma_wait3A_229] : memref<16x2x16x1024xf32, #tpu.memory_space<vmem_shared>> -> memref<1x1x16x1024xf32, #tpu.memory_space<vmem_shared>>
    %dma_wait3A_231 = tpu.memref_squeeze %dma_wait3A_230 : memref<1x1x16x1024xf32, #tpu.memory_space<vmem_shared>> -> memref<16x1024xf32, #tpu.memory_space<vmem_shared>>
    %dma_wait3A_232 = arith.constant 0 : i32
    %dma_wait3A_233 = tpu.memref_slice %arg2[%add3A_103, %dma_wait3A_232] : memref<8192x1024xf32, #tpu.memory_space<hbm>> -> memref<16x1024xf32, #tpu.memory_space<hbm>>
    tpu.wait_dma2 semaphore(%arg8 : memref<!tpu.dma_semaphore, #tpu.memory_space<semaphore_mem>>) src(%dma_wait3A_233 : memref<16x1024xf32, #tpu.memory_space<hbm>>) dst(%dma_wait3A_231 : memref<16x1024xf32, #tpu.memory_space<vmem_shared>>)
    %add3A_234 = arith.constant 32 : i32
    %add3A_235 = arith.addi %add3A_4, %add3A_234 : i32
    %dma_start3A_236 = arith.constant 0 : i32
    %dma_start3A_237 = arith.constant 0 : i32
    %dma_start3A_238 = tpu.memref_slice %arg3[%add3A_235, %dma_start3A_237] : memref<8192x1024xf32, #tpu.memory_space<hbm>> -> memref<16x1024xf32, #tpu.memory_space<hbm>>
    %dma_start3A_239 = arith.constant 0 : i32
    %dma_start3A_240 = arith.constant 0 : i32
    %dma_start3A_241 = tpu.memref_slice %arg5[%arg1, %dma_start3A_236, %dma_start3A_239, %dma_start3A_240] : memref<16x2x16x1024xf32, #tpu.memory_space<vmem_shared>> -> memref<1x1x16x1024xf32, #tpu.memory_space<vmem_shared>>
    %dma_start3A_242 = tpu.memref_squeeze %dma_start3A_241 : memref<1x1x16x1024xf32, #tpu.memory_space<vmem_shared>> -> memref<16x1024xf32, #tpu.memory_space<vmem_shared>>
    tpu.enqueue_dma source(%dma_start3A_242 : memref<16x1024xf32, #tpu.memory_space<vmem_shared>>) target(%dma_start3A_238 : memref<16x1024xf32, #tpu.memory_space<hbm>>) target_semaphore(%arg9 : memref<!tpu.dma_semaphore, #tpu.memory_space<semaphore_mem>>)
    %dma_wait3A_243 = arith.constant 0 : i32
    %dma_wait3A_244 = arith.constant 0 : i32
    %dma_wait3A_245 = arith.constant 0 : i32
    %dma_wait3A_246 = tpu.memref_slice %arg4[%dma_wait3A_243, %dma_wait3A_244, %dma_wait3A_245] : memref<2x48x1024xf32, #tpu.memory_space<vmem>> -> memref<1x48x1024xf32, #tpu.memory_space<vmem>>
    %dma_wait3A_247 = tpu.memref_squeeze %dma_wait3A_246 : memref<1x48x1024xf32, #tpu.memory_space<vmem>> -> memref<48x1024xf32, #tpu.memory_space<vmem>>
    %dma_wait3A_248 = arith.constant 0 : i32
    %dma_wait3A_249 = tpu.memref_slice %arg2[%add3A_125, %dma_wait3A_248] : memref<8192x1024xf32, #tpu.memory_space<hbm>> -> memref<48x1024xf32, #tpu.memory_space<hbm>>
    %dma_wait3A_250 = arith.constant 0 : i32
    %dma_wait3A_251 = arith.constant 0 : i32
    %dma_wait3A_252 = tpu.memref_slice %arg4[%dma_wait3A_243, %dma_wait3A_250, %dma_wait3A_251] : memref<2x48x1024xf32, #tpu.memory_space<vmem>> -> memref<1x48x1024xf32, #tpu.memory_space<vmem>>
    %dma_wait3A_253 = tpu.memref_squeeze %dma_wait3A_252 : memref<1x48x1024xf32, #tpu.memory_space<vmem>> -> memref<48x1024xf32, #tpu.memory_space<vmem>>
    %dma_wait3A_254 = arith.constant 0 : i32
    %dma_wait3A_255 = tpu.memref_slice %arg2[%add3A_125, %dma_wait3A_254] : memref<8192x1024xf32, #tpu.memory_space<hbm>> -> memref<48x1024xf32, #tpu.memory_space<hbm>>
    tpu.wait_dma2 semaphore(%arg6 : memref<!tpu.dma_semaphore, #tpu.memory_space<semaphore_mem>>) src(%dma_wait3A_255 : memref<48x1024xf32, #tpu.memory_space<hbm>>) dst(%dma_wait3A_253 : memref<48x1024xf32, #tpu.memory_space<vmem>>)
    %add3A_256 = arith.constant 96 : i32
    %add3A_257 = arith.addi %mul3A_2, %add3A_256 : i32
    %dma_start3A_258 = arith.constant 0 : i32
    %dma_start3A_259 = arith.constant 0 : i32
    %dma_start3A_260 = arith.constant 0 : i32
    %dma_start3A_261 = tpu.memref_slice %arg4[%dma_start3A_258, %dma_start3A_259, %dma_start3A_260] : memref<2x48x1024xf32, #tpu.memory_space<vmem>> -> memref<1x48x1024xf32, #tpu.memory_space<vmem>>
    %dma_start3A_262 = tpu.memref_squeeze %dma_start3A_261 : memref<1x48x1024xf32, #tpu.memory_space<vmem>> -> memref<48x1024xf32, #tpu.memory_space<vmem>>
    %dma_start3A_263 = arith.constant 0 : i32
    %dma_start3A_264 = tpu.memref_slice %arg3[%add3A_257, %dma_start3A_263] : memref<8192x1024xf32, #tpu.memory_space<hbm>> -> memref<48x1024xf32, #tpu.memory_space<hbm>>
    %dma_start3A_265 = arith.constant 0 : i32
    %dma_start3A_266 = tpu.memref_slice %arg3[%add3A_257, %dma_start3A_265] : memref<8192x1024xf32, #tpu.memory_space<hbm>> -> memref<48x1024xf32, #tpu.memory_space<hbm>>
    %dma_start3A_267 = arith.constant 0 : i32
    %dma_start3A_268 = arith.constant 0 : i32
    %dma_start3A_269 = tpu.memref_slice %arg4[%dma_start3A_258, %dma_start3A_267, %dma_start3A_268] : memref<2x48x1024xf32, #tpu.memory_space<vmem>> -> memref<1x48x1024xf32, #tpu.memory_space<vmem>>
    %dma_start3A_270 = tpu.memref_squeeze %dma_start3A_269 : memref<1x48x1024xf32, #tpu.memory_space<vmem>> -> memref<48x1024xf32, #tpu.memory_space<vmem>>
    tpu.enqueue_dma source(%dma_start3A_270 : memref<48x1024xf32, #tpu.memory_space<vmem>>) target(%dma_start3A_266 : memref<48x1024xf32, #tpu.memory_space<hbm>>) target_semaphore(%arg7 : memref<!tpu.dma_semaphore, #tpu.memory_space<semaphore_mem>>)
    %dma_wait3A_271 = arith.constant 1 : i32
    %dma_wait3A_272 = arith.constant 0 : i32
    %dma_wait3A_273 = arith.constant 0 : i32
    %dma_wait3A_274 = tpu.memref_slice %arg5[%arg1, %dma_wait3A_271, %dma_wait3A_272, %dma_wait3A_273] : memref<16x2x16x1024xf32, #tpu.memory_space<vmem_shared>> -> memref<1x1x16x1024xf32, #tpu.memory_space<vmem_shared>>
    %dma_wait3A_275 = tpu.memref_squeeze %dma_wait3A_274 : memref<1x1x16x1024xf32, #tpu.memory_space<vmem_shared>> -> memref<16x1024xf32, #tpu.memory_space<vmem_shared>>
    %dma_wait3A_276 = arith.constant 0 : i32
    %dma_wait3A_277 = tpu.memref_slice %arg2[%add3A_191, %dma_wait3A_276] : memref<8192x1024xf32, #tpu.memory_space<hbm>> -> memref<16x1024xf32, #tpu.memory_space<hbm>>
    tpu.wait_dma2 semaphore(%arg8 : memref<!tpu.dma_semaphore, #tpu.memory_space<semaphore_mem>>) src(%dma_wait3A_277 : memref<16x1024xf32, #tpu.memory_space<hbm>>) dst(%dma_wait3A_275 : memref<16x1024xf32, #tpu.memory_space<vmem_shared>>)
    %add3A_278 = arith.constant 48 : i32
    %add3A_279 = arith.addi %add3A_4, %add3A_278 : i32
    %dma_start3A_280 = arith.constant 1 : i32
    %dma_start3A_281 = arith.constant 0 : i32
    %dma_start3A_282 = tpu.memref_slice %arg3[%add3A_279, %dma_start3A_281] : memref<8192x1024xf32, #tpu.memory_space<hbm>> -> memref<16x1024xf32, #tpu.memory_space<hbm>>
    %dma_start3A_283 = arith.constant 0 : i32
    %dma_start3A_284 = arith.constant 0 : i32
    %dma_start3A_285 = tpu.memref_slice %arg5[%arg1, %dma_start3A_280, %dma_start3A_283, %dma_start3A_284] : memref<16x2x16x1024xf32, #tpu.memory_space<vmem_shared>> -> memref<1x1x16x1024xf32, #tpu.memory_space<vmem_shared>>
    %dma_start3A_286 = tpu.memref_squeeze %dma_start3A_285 : memref<1x1x16x1024xf32, #tpu.memory_space<vmem_shared>> -> memref<16x1024xf32, #tpu.memory_space<vmem_shared>>
    tpu.enqueue_dma source(%dma_start3A_286 : memref<16x1024xf32, #tpu.memory_space<vmem_shared>>) target(%dma_start3A_282 : memref<16x1024xf32, #tpu.memory_space<hbm>>) target_semaphore(%arg9 : memref<!tpu.dma_semaphore, #tpu.memory_space<semaphore_mem>>)
    %dma_wait3A_287 = arith.constant 1 : i32
    %dma_wait3A_288 = arith.constant 0 : i32
    %dma_wait3A_289 = arith.constant 0 : i32
    %dma_wait3A_290 = tpu.memref_slice %arg4[%dma_wait3A_287, %dma_wait3A_288, %dma_wait3A_289] : memref<2x48x1024xf32, #tpu.memory_space<vmem>> -> memref<1x48x1024xf32, #tpu.memory_space<vmem>>
    %dma_wait3A_291 = tpu.memref_squeeze %dma_wait3A_290 : memref<1x48x1024xf32, #tpu.memory_space<vmem>> -> memref<48x1024xf32, #tpu.memory_space<vmem>>
    %dma_wait3A_292 = arith.constant 0 : i32
    %dma_wait3A_293 = tpu.memref_slice %arg2[%add3A_213, %dma_wait3A_292] : memref<8192x1024xf32, #tpu.memory_space<hbm>> -> memref<48x1024xf32, #tpu.memory_space<hbm>>
    %dma_wait3A_294 = arith.constant 0 : i32
    %dma_wait3A_295 = arith.constant 0 : i32
    %dma_wait3A_296 = tpu.memref_slice %arg4[%dma_wait3A_287, %dma_wait3A_294, %dma_wait3A_295] : memref<2x48x1024xf32, #tpu.memory_space<vmem>> -> memref<1x48x1024xf32, #tpu.memory_space<vmem>>
    %dma_wait3A_297 = tpu.memref_squeeze %dma_wait3A_296 : memref<1x48x1024xf32, #tpu.memory_space<vmem>> -> memref<48x1024xf32, #tpu.memory_space<vmem>>
    %dma_wait3A_298 = arith.constant 0 : i32
    %dma_wait3A_299 = tpu.memref_slice %arg2[%add3A_213, %dma_wait3A_298] : memref<8192x1024xf32, #tpu.memory_space<hbm>> -> memref<48x1024xf32, #tpu.memory_space<hbm>>
    tpu.wait_dma2 semaphore(%arg6 : memref<!tpu.dma_semaphore, #tpu.memory_space<semaphore_mem>>) src(%dma_wait3A_299 : memref<48x1024xf32, #tpu.memory_space<hbm>>) dst(%dma_wait3A_297 : memref<48x1024xf32, #tpu.memory_space<vmem>>)
    %add3A_300 = arith.constant 144 : i32
    %add3A_301 = arith.addi %mul3A_2, %add3A_300 : i32
    %dma_start3A_302 = arith.constant 1 : i32
    %dma_start3A_303 = arith.constant 0 : i32
    %dma_start3A_304 = arith.constant 0 : i32
    %dma_start3A_305 = tpu.memref_slice %arg4[%dma_start3A_302, %dma_start3A_303, %dma_start3A_304] : memref<2x48x1024xf32, #tpu.memory_space<vmem>> -> memref<1x48x1024xf32, #tpu.memory_space<vmem>>
    %dma_start3A_306 = tpu.memref_squeeze %dma_start3A_305 : memref<1x48x1024xf32, #tpu.memory_space<vmem>> -> memref<48x1024xf32, #tpu.memory_space<vmem>>
    %dma_start3A_307 = arith.constant 0 : i32
    %dma_start3A_308 = tpu.memref_slice %arg3[%add3A_301, %dma_start3A_307] : memref<8192x1024xf32, #tpu.memory_space<hbm>> -> memref<48x1024xf32, #tpu.memory_space<hbm>>
    %dma_start3A_309 = arith.constant 0 : i32
    %dma_start3A_310 = tpu.memref_slice %arg3[%add3A_301, %dma_start3A_309] : memref<8192x1024xf32, #tpu.memory_space<hbm>> -> memref<48x1024xf32, #tpu.memory_space<hbm>>
    %dma_start3A_311 = arith.constant 0 : i32
    %dma_start3A_312 = arith.constant 0 : i32
    %dma_start3A_313 = tpu.memref_slice %arg4[%dma_start3A_302, %dma_start3A_311, %dma_start3A_312] : memref<2x48x1024xf32, #tpu.memory_space<vmem>> -> memref<1x48x1024xf32, #tpu.memory_space<vmem>>
    %dma_start3A_314 = tpu.memref_squeeze %dma_start3A_313 : memref<1x48x1024xf32, #tpu.memory_space<vmem>> -> memref<48x1024xf32, #tpu.memory_space<vmem>>
    tpu.enqueue_dma source(%dma_start3A_314 : memref<48x1024xf32, #tpu.memory_space<vmem>>) target(%dma_start3A_310 : memref<48x1024xf32, #tpu.memory_space<hbm>>) target_semaphore(%arg7 : memref<!tpu.dma_semaphore, #tpu.memory_space<semaphore_mem>>)
    %dma_wait3A_315 = arith.constant 0 : i32
    %dma_wait3A_316 = arith.constant 0 : i32
    %dma_wait3A_317 = arith.constant 0 : i32
    %dma_wait3A_318 = tpu.memref_slice %arg4[%dma_wait3A_315, %dma_wait3A_316, %dma_wait3A_317] : memref<2x48x1024xf32, #tpu.memory_space<vmem>> -> memref<1x48x1024xf32, #tpu.memory_space<vmem>>
    %dma_wait3A_319 = tpu.memref_squeeze %dma_wait3A_318 : memref<1x48x1024xf32, #tpu.memory_space<vmem>> -> memref<48x1024xf32, #tpu.memory_space<vmem>>
    %dma_wait3A_320 = arith.constant 0 : i32
    %dma_wait3A_321 = tpu.memref_slice %arg3[%add3A_257, %dma_wait3A_320] : memref<8192x1024xf32, #tpu.memory_space<hbm>> -> memref<48x1024xf32, #tpu.memory_space<hbm>>
    %dma_wait3A_322 = arith.constant 0 : i32
    %dma_wait3A_323 = tpu.memref_slice %arg3[%add3A_257, %dma_wait3A_322] : memref<8192x1024xf32, #tpu.memory_space<hbm>> -> memref<48x1024xf32, #tpu.memory_space<hbm>>
    %dma_wait3A_324 = arith.constant 0 : i32
    %dma_wait3A_325 = arith.constant 0 : i32
    %dma_wait3A_326 = tpu.memref_slice %arg4[%dma_wait3A_315, %dma_wait3A_324, %dma_wait3A_325] : memref<2x48x1024xf32, #tpu.memory_space<vmem>> -> memref<1x48x1024xf32, #tpu.memory_space<vmem>>
    %dma_wait3A_327 = tpu.memref_squeeze %dma_wait3A_326 : memref<1x48x1024xf32, #tpu.memory_space<vmem>> -> memref<48x1024xf32, #tpu.memory_space<vmem>>
    tpu.wait_dma2 semaphore(%arg7 : memref<!tpu.dma_semaphore, #tpu.memory_space<semaphore_mem>>) src(%dma_wait3A_327 : memref<48x1024xf32, #tpu.memory_space<vmem>>) dst(%dma_wait3A_323 : memref<48x1024xf32, #tpu.memory_space<hbm>>)
    %dma_wait3A_328 = arith.constant 1 : i32
    %dma_wait3A_329 = arith.constant 0 : i32
    %dma_wait3A_330 = arith.constant 0 : i32
    %dma_wait3A_331 = tpu.memref_slice %arg4[%dma_wait3A_328, %dma_wait3A_329, %dma_wait3A_330] : memref<2x48x1024xf32, #tpu.memory_space<vmem>> -> memref<1x48x1024xf32, #tpu.memory_space<vmem>>
    %dma_wait3A_332 = tpu.memref_squeeze %dma_wait3A_331 : memref<1x48x1024xf32, #tpu.memory_space<vmem>> -> memref<48x1024xf32, #tpu.memory_space<vmem>>
    %dma_wait3A_333 = arith.constant 0 : i32
    %dma_wait3A_334 = tpu.memref_slice %arg3[%add3A_301, %dma_wait3A_333] : memref<8192x1024xf32, #tpu.memory_space<hbm>> -> memref<48x1024xf32, #tpu.memory_space<hbm>>
    %dma_wait3A_335 = arith.constant 0 : i32
    %dma_wait3A_336 = tpu.memref_slice %arg3[%add3A_301, %dma_wait3A_335] : memref<8192x1024xf32, #tpu.memory_space<hbm>> -> memref<48x1024xf32, #tpu.memory_space<hbm>>
    %dma_wait3A_337 = arith.constant 0 : i32
    %dma_wait3A_338 = arith.constant 0 : i32
    %dma_wait3A_339 = tpu.memref_slice %arg4[%dma_wait3A_328, %dma_wait3A_337, %dma_wait3A_338] : memref<2x48x1024xf32, #tpu.memory_space<vmem>> -> memref<1x48x1024xf32, #tpu.memory_space<vmem>>
    %dma_wait3A_340 = tpu.memref_squeeze %dma_wait3A_339 : memref<1x48x1024xf32, #tpu.memory_space<vmem>> -> memref<48x1024xf32, #tpu.memory_space<vmem>>
    tpu.wait_dma2 semaphore(%arg7 : memref<!tpu.dma_semaphore, #tpu.memory_space<semaphore_mem>>) src(%dma_wait3A_340 : memref<48x1024xf32, #tpu.memory_space<vmem>>) dst(%dma_wait3A_336 : memref<48x1024xf32, #tpu.memory_space<hbm>>)
    %dma_wait3A_341 = arith.constant 0 : i32
    %dma_wait3A_342 = arith.constant 0 : i32
    %dma_wait3A_343 = tpu.memref_slice %arg3[%add3A_235, %dma_wait3A_342] : memref<8192x1024xf32, #tpu.memory_space<hbm>> -> memref<16x1024xf32, #tpu.memory_space<hbm>>
    %dma_wait3A_344 = arith.constant 0 : i32
    %dma_wait3A_345 = arith.constant 0 : i32
    %dma_wait3A_346 = tpu.memref_slice %arg5[%arg1, %dma_wait3A_341, %dma_wait3A_344, %dma_wait3A_345] : memref<16x2x16x1024xf32, #tpu.memory_space<vmem_shared>> -> memref<1x1x16x1024xf32, #tpu.memory_space<vmem_shared>>
    %dma_wait3A_347 = tpu.memref_squeeze %dma_wait3A_346 : memref<1x1x16x1024xf32, #tpu.memory_space<vmem_shared>> -> memref<16x1024xf32, #tpu.memory_space<vmem_shared>>
    tpu.wait_dma2 semaphore(%arg9 : memref<!tpu.dma_semaphore, #tpu.memory_space<semaphore_mem>>) src(%dma_wait3A_347 : memref<16x1024xf32, #tpu.memory_space<vmem_shared>>) dst(%dma_wait3A_343 : memref<16x1024xf32, #tpu.memory_space<hbm>>)
    %dma_wait3A_348 = arith.constant 1 : i32
    %dma_wait3A_349 = arith.constant 0 : i32
    %dma_wait3A_350 = tpu.memref_slice %arg3[%add3A_279, %dma_wait3A_349] : memref<8192x1024xf32, #tpu.memory_space<hbm>> -> memref<16x1024xf32, #tpu.memory_space<hbm>>
    %dma_wait3A_351 = arith.constant 0 : i32
    %dma_wait3A_352 = arith.constant 0 : i32
    %dma_wait3A_353 = tpu.memref_slice %arg5[%arg1, %dma_wait3A_348, %dma_wait3A_351, %dma_wait3A_352] : memref<16x2x16x1024xf32, #tpu.memory_space<vmem_shared>> -> memref<1x1x16x1024xf32, #tpu.memory_space<vmem_shared>>
    %dma_wait3A_354 = tpu.memref_squeeze %dma_wait3A_353 : memref<1x1x16x1024xf32, #tpu.memory_space<vmem_shared>> -> memref<16x1024xf32, #tpu.memory_space<vmem_shared>>
    tpu.wait_dma2 semaphore(%arg9 : memref<!tpu.dma_semaphore, #tpu.memory_space<semaphore_mem>>) src(%dma_wait3A_354 : memref<16x1024xf32, #tpu.memory_space<vmem_shared>>) dst(%dma_wait3A_350 : memref<16x1024xf32, #tpu.memory_space<hbm>>)
    return
  }
}

</mosaic_0001>

<sc_bundles>
// kernel: kernel.3.cloned.1.call-start
scs
__scs_entry_jumppad:
0x0: {  	(pc) =	sbr.rel $0x88, $3  }
0x1: {  	(tag) =	ssettag $0x0;
	lr =	simm.s32 $0x1  }
0x2: {  	[smem:$0x3FA0] =	sst lr;
	_ =	strace $0xD0000000  }
0x3: {  	_ = 	snop  }
0x4: {  	_ = 	snop  }
0x5: {  	_ = 	snop  }
0x6: {  	_ = 	snop  }
0x7: {  	_ = 	snop  }
__scs_overlays_trampoline_lowered:
0x8: {  	[smem:$0x3FAF] =	sst s0  }
0x9: {  	[smem:$0x3FB0] =	sst s1  }
0xa: {  	[smem:$0x3FB1] =	sst s2  }
0xb: {  	[smem:$0x3FB2] =	sst s3  }
0xc: {  	[smem:$0x3FB3] =	sst s4  }
0xd: {  	[smem:$0x3FB4] =	sst s5  }
0xe: {  	[smem:$0x3FB5] =	sst s6  }
0xf: {  	[smem:$0x3FB6] =	sst s7  }
0x10: {  	[smem:$0x3FB7] =	sst s8  }
0x11: {  	[smem:$0x3FB8] =	sst s9;
	s0 =	simm.s32 @!p0 $0x0  }
0x12: {  	s1 =	sld [smem:$0x3F9E];
	s0 =	simm.s32 @p0 $0x1  }
0x13: {  	[smem:$0x3FB9] =	sst s0;
	s0 =	simm.s32 @!p1 $0x0  }
0x14: {  	s2 =	sld [smem:$0x3F9D];
	s0 =	simm.s32 @p1 $0x1  }
0x15: {  	[smem:$0x3FBA] =	sst s0;
	s0 =	simm.s32 @!p2 $0x0  }
0x16: {  	s3 =	sld [smem:$0x3FDB];
	s0 =	simm.s32 @p2 $0x1  }
0x17: {  	s4 =	simm.s32 $0x1BF5;
	[smem:$0x3FBC] =	sst s0  }
0x18: {  	s0 =	sld [smem:$0x3F9F];
	_ =	swait.ge [sflag:s4], $0x0  }
0x19: {  	s7 =	sld [smem:$0x3FA0]  }
0x1a: {  	s8 =	sadd.s32 $0xFFFFE003, lr  }
0x1b: {  	s9 =	sadd.s32 $0xFFFFFEF7, lr;
	s5 =	simm.s32 $0xFFFFFFFF;
	p2 =	slt.u32 s8, $0xFFFFF086  }
0x1c: {  	p1 =	slt.u32 s9, $0xF7A;
	s5 =	simm.s32 @!p2 $0x0  }
0x1d: {  	s5 =	simm.s32 @p1 $0x1;
	p0 =	seq.s32 s7, s2  }
0x1e: {  	s7 =	smul.u32 @!p0 $0xF7A, s2;
	p2 =	seq.s32 @!p0 s5, $0x0  }
0x1f: {  	s9 =	smul.u32 $0xF7A, s1;
	s8 =	simm.s32 @!p0 $0x1BF5;
	p2 =	por !p2, p0  }
0x20: {  	[sflag:s8] =	ssyncset.s32 @!p0 $0xFFFFF086;
	s6 =	sadd.s32 @!p0 s3, s7;
	s7 =	simm.s32 @!p0 $0x108  }
0x21: {  	s3 =	sadd.s32 s3, s9;
	s6 =	sadd.s32 @!p0 $0x88, s6;
	s7 =	simm.s32 @p2 $0x1082  }
0x22: {  	[simem:s7], [sflag:s8] =	dma.local @!p0 [hbm:s6], $0xF7A  }
0x23: {  	s9 =	sor.u32 $0xD0000000, s2;
	s6 =	simm.s32 $0x108;
	_ =	swait.ge @!p0 [sflag:s8], $0x0  }
0x24: {  	s3 =	sadd.s32 $0x88, s3;
	s6 =	simm.s32 @!p1 $0x1082;
	[sflag:s4] =	ssyncset.s32 $0xFFFFF086  }
0x25: {  	[simem:s6], [sflag:s4] =	dma.local [hbm:s3], $0xF7A  }
0x26: {  	[smem:$0x3FA0] =	sst s1;
	(tag) =	ssettag s2;
	_ =	strace s9  }
0x27: {  	s1 =	sld [smem:$0x3FB0]  }
0x28: {  	s2 =	sld [smem:$0x3FB1]  }
0x29: {  	s4 =	sld [smem:$0x3FB3]  }
0x2a: {  	p0 =	seq.s32 s5, $0x0;
	s5 =	sld [smem:$0x3FB4]  }
0x2b: {  	s6 =	sld [smem:$0x3FB5]  }
0x2c: {  	s7 =	sld [smem:$0x3FB6]  }
0x2d: {  	s3 =	simm.s32 $0x108;
	s8 =	sld [smem:$0x3FB7]  }
0x2e: {  	s3 =	simm.s32 @!p0 $0x1082;
	s9 =	sld [smem:$0x3FB8]  }
0x2f: {  	lr =	sadd.s32 s0, s3;
	s0 =	sld [smem:$0x3FAF]  }
0x30: {  	s3 =	sld [smem:$0x3FB2]  }
0x31: {  	[smem:$0x3FBB] =	sst s10  }
0x32: {  	s10 =	sld [smem:$0x3FB9];
	_ =	sdelay $0x3  }
0x33: {  	p0 =	seq.s32 s10, $0x1;
	s10 =	sld [smem:$0x3FBB];
	_ =	sdelay $0x3  }
0x34: {  	[smem:$0x3FBB] =	sst s10  }
0x35: {  	s10 =	sld [smem:$0x3FBA];
	_ =	sdelay $0x3  }
0x36: {  	p1 =	seq.s32 s10, $0x1;
	s10 =	sld [smem:$0x3FBB];
	_ =	sdelay $0x3  }
0x37: {  	[smem:$0x3FBB] =	sst s10  }
0x38: {  	s10 =	sld [smem:$0x3FBC]  }
0x39: {  	_ = 	snop;
	(pc) =	sbr.ind lr, $3  }
0x3a: {  	_ = 	snop  }
0x3b: {  	_ = 	snop  }
0x3c: {  	p2 =	seq.s32 s10, $0x1;
	s10 =	sld [smem:$0x3FBB]  }
0x3d: {  	_ =	shalt  }
0x3e: {  	_ =	shalt  }
0x3f: {  	_ =	shalt  }
0x40: {  	_ =	shalt  }
0x41: {  	_ =	shalt  }
0x42: {  	_ =	shalt  }
0x43: {  	_ =	shalt  }
0x44: {  	_ =	shalt  }
0x45: {  	_ =	shalt  }
0x46: {  	_ =	shalt  }
0x47: {  	_ =	shalt  }
0x48: {  	_ =	shalt  }
0x49: {  	_ =	shalt  }
0x4a: {  	_ =	shalt  }
0x4b: {  	_ =	shalt  }
0x4c: {  	_ =	shalt  }
0x4d: {  	_ =	shalt  }
0x4e: {  	_ =	shalt  }
0x4f: {  	_ =	shalt  }
0x50: {  	_ =	shalt  }
0x51: {  	_ =	shalt  }
0x52: {  	_ =	shalt  }
0x53: {  	_ =	shalt  }
0x54: {  	_ =	shalt  }
0x55: {  	_ =	shalt  }
0x56: {  	_ =	shalt  }
0x57: {  	_ =	shalt  }
0x58: {  	_ =	shalt  }
0x59: {  	_ =	shalt  }
0x5a: {  	_ =	shalt  }
0x5b: {  	_ =	shalt  }
0x5c: {  	_ =	shalt  }
0x5d: {  	_ =	shalt  }
0x5e: {  	_ =	shalt  }
0x5f: {  	_ =	shalt  }
0x60: {  	_ =	shalt  }
0x61: {  	_ =	shalt  }
0x62: {  	_ =	shalt  }
0x63: {  	_ =	shalt  }
0x64: {  	_ =	shalt  }
0x65: {  	_ =	shalt  }
0x66: {  	_ =	shalt  }
0x67: {  	_ =	shalt  }
0x68: {  	_ =	shalt  }
0x69: {  	_ =	shalt  }
0x6a: {  	_ =	shalt  }
0x6b: {  	_ =	shalt  }
0x6c: {  	_ =	shalt  }
0x6d: {  	_ =	shalt  }
0x6e: {  	_ =	shalt  }
0x6f: {  	_ =	shalt  }
0x70: {  	_ =	shalt  }
0x71: {  	_ =	shalt  }
0x72: {  	_ =	shalt  }
0x73: {  	_ =	shalt  }
0x74: {  	_ =	shalt  }
0x75: {  	_ =	shalt  }
0x76: {  	_ =	shalt  }
0x77: {  	_ =	shalt  }
0x78: {  	_ =	shalt  }
0x79: {  	_ =	shalt  }
0x7a: {  	_ =	shalt  }
0x7b: {  	_ =	shalt  }
0x7c: {  	_ =	shalt  }
0x7d: {  	_ =	shalt  }
0x7e: {  	_ =	shalt  }
0x7f: {  	_ =	shalt  }
0x80: {  	_ =	shalt  }
0x81: {  	_ =	shalt  }
0x82: {  	_ =	shalt  }
0x83: {  	_ =	shalt  }
0x84: {  	_ =	shalt  }
0x85: {  	_ =	shalt  }
0x86: {  	_ =	shalt  }
0x87: {  	_ =	shalt  }
.Lfunc_end0:
.L_simem_size_0:
called_computation_lowered:
.L_overlay_start_0:
0x88: {  	s2 =	sld [smem:$0x3FD9]  }
0x89: {  	s3 =	sld [smem:$0x3FFE];
	_ =	sdelay $0x1  }
0x8a: {  	s1 =	srdreg.scid  }
0x8b: {  	s0 =	sand.u32 $0x1, s1  }
0x8c: {  	s18 =	sshll.u32 s0, $0xA;
	s2 =	sadd.s32 s3, s2  }
0x8d: {  	s2 =	sadd.s32 s2, s18  }
0x8e: {  	[smem:$0x3FC7] =	sst s2  }
0x8f: {  	_ = 	snop  }
0x90: {  	s2 =	sld [smem:$0x3FC9]  }
0x91: {  	s19 =	sld [smem:$0x3FD0];
	(tm) =	ssettm $0x1  }
0x92: {  	s4 =	sld [smem:$0x3FFB];
	_ =	sdelay $0x3  }
0x93: {  	_ =	strace s4  }
0x94: {  	s4 =	sld [smem:$0x3FFC];
	_ =	sdelay $0x3  }
0x95: {  	_ =	strace s4  }
0x96: {  	s4 =	sld [smem:$0x3FFD];
	_ =	sdelay $0x3  }
0x97: {  	_ =	strace s4  }
0x98: {  	_ =	strace $0x8FFFFFFF  }
0x99: {  	s20 =	sld [smem:$0x3FDB];
	_ =	sdelay $0x1  }
0x9a: {  	s5 =	simm.s32 $_scs_section_size  }
0x9b: {  	s6 =	simm.s32 $_size__tile_overlayer_lowered;
	s7 =	simm.s32 $_tile_overlayer_lowered  }
0x9c: {  	s23 =	simm.s32 $0x1BFF;
	s22 =	sshll.u32 s7, $0x1;
	s4 =	sadd.s32 s5, s20  }
0x9d: {  	s8 =	simm.s32 $0x0;
	s21 =	sshll.u32 s6, $0x1;
	s6 =	sadd.s32 s22, s4  }
0x9e: {  	[timem:s8], [sflag:s23] =	dma.local [hbm:s6], s21  }
0x9f: {  	_ =	swait.ge [sflag:s23], s21  }
0xa0: {  	s5 =	ssub.s32 $0x0, s21;
	[sflag:s23] =	ssyncset.done $0x0  }
0xa1: {  	[sflag:s23] =	ssyncadd.s32 s5;
	_ =	sdelay $0x1  }
0xa2: {  	s24 =	simm.s32 $0x1B8B  }
0xa3: {  	_ =	swait.ge [sflag:s24], $0x1  }
0xa4: {  	[sflag:s24] =	ssyncset.done $0x0  }
0xa5: {  	s25 =	simm.s32 $0x1B8E;
	[sflag:s24] =	ssyncadd.s32 $0xFFFFFFFF  }
0xa6: {  	s26 =	simm.s32 $execute0_lowered;
	[smem:$0x3FD2] =	sst s25  }
0xa7: {  	s5 =	sshll.u32 s26, $0x1;
	_ =	strace $0x80000046;
	[dreg:$0x1] =	wrdreg $0xFFFFFFFF  }
0xa8: {  	s28 =	simm.s32 $_size_execute0_lowered;
	s4 =	sadd.s32 s4, s5;
	[dreg:$0x0] =	wrdreg $0x0  }
0xa9: {  	s5 =	sshll.u32 s28, $0x1;
	[dreg:$0x2] =	wrdreg s4  }
0xaa: {  	[dreg:$0x3] =	wrdreg s5  }
0xab: {  	[dreg:$0x4] =	wrdreg $0xC0  }
0xac: {  	_ =	task [dreg:s8], $0x5FFFF  }
0xad: {  	[dreg:$0x1] =	wrdreg $0xFFFFFFFF  }
0xae: {  	[dreg:$0x0] =	wrdreg $0x60  }
0xaf: {  	[dreg:$0x2] =	wrdreg s2  }
0xb0: {  	[dreg:$0x3] =	wrdreg s19  }
0xb1: {  	[dreg:$0x4] =	wrdreg $0x180000  }
0xb2: {  	[dreg:$0x5] =	wrdreg $0x9  }
0xb3: {  	_ =	task.clear_ibuf [dreg:s8], $0x6FFFF;
	_ =	strace $0x90000046  }
0xb4: {  	s29 =	simm.s32 $0x9;
	_ =	strace $0x80000048  }
0xb5: {  	_ =	swait.ge [sflag:s29], $0x1  }
0xb6: {  	[sflag:s29] =	ssyncadd.s32 $0xFFFFFFFF  }
0xb7: {  	_ =	strace $0x90000048  }
0xb8: {  	_ =	sfence  }
0xb9: {  	s30 =	sld [smem:$0x0];
	_ =	sdelay $0x2  }
0xba: {  	s31 =	sshll.u32 s1, $0xD;
	s1 =	sshrl.u32 s1, $0x2  }
0xbb: {  	s3 =	sand.u32 $0x4000, s31;
	s1 =	sadd.s32 s1, s30  }
0xbc: {  	s0 =	sor.u32 s3, s0;
	s1 =	sshll.u32 s1, $0x11  }
0xbd: {  	s0 =	sor.u32 s1, s0  }
0xbe: {  	s0 =	sadd.s32 $0x8F2B, s0  }
0xbf: {  	[sflag:s0] =	ssyncadd.remote.s32 $0x1  }
0xc0: {  	_ =	sfence.sel $0xFFFF  }
0xc1: {  	[dreg:$0x0] =	wrdreg $0xFFFFFFFF;
	(pc) =	sbr.abs _section_cstart, $3  }
0xc2: {  	[dreg:$0x1] =	wrdreg $0xFFFFFFFF  }
0xc3: {  	_ =	task.clear_ibuf [dreg:s8], $0x2FFFF;
	_ =	strace $0x9FFFFFFF  }
0xc4: {  	(tm) =	ssettm $0x7FFFFFFF  }
0xc5: {  	_ =	shalt  }
tec
execute0_lowered:
.L_overlay_start_1:
0x0: {  	(tag) =	ssettag $0x1  }
0x1: {  	s23 =	rddreg [dreg:$0x0]  }
0x2: {  	s28 =	rddreg [dreg:$0x1]  }
0x3: {  	s5 =	rddreg [dreg:$0x2]  }
0x4: {  	s2 =	srdreg.scid;
	s0 =	rddreg [dreg:$0x3]  }
0x5: {  	s1 =	stileid.u32;
	s8 =	simm.s32 $0xC000;
	s10 =	simm.s32 $0x3  }
0x6: {  	s29 =	sand.u32 $0x1, s2;
	s2 =	simm.s32 $0x0;
	s3 =	sshll.u32 s1, $0x10  }
0x7: {  	s6 =	sshll.u32 s1, $0xF;
	s14 =	sshll.u32 s1, $0x6;
	s4 =	sshll.u32 s29, $0xF  }
0x8: {  	[smem:$0x7FF] =	sst s2;
	s11 =	sadd.s32 s6, s5;
	s6 =	sor.u32 $0x1C03, s14  }
0x9: {  	s24 =	sor.u32 s4, s3;
	_ =	strace $0x80000047;
	s9 =	sadd.s32 $0x4000, s11  }
0xa: {  	s11 =	sshrl.u32 s11, $0x3;
	s21 =	sor.u32 $0x1800, s24;
	s3 =	sadd.s32 s23, s24  }
0xb: {  	s12 =	sor.u32 $0x6000, s24;
	s20 =	sor.u32 $0x6800, s24;
	s9 =	sshrl.u32 s9, $0x3  }
0xc: {  	[tilespmem:s2], [sflag:$0x1] =	stream.linear.gather [hbm4b:s3+s2], $0xC000, $0x38;
	v63 =	vld [tilespmem:$0x0]  }
0xd: {  	s4 =	sadd.s32 s23, s21;
	s5 =	sadd.s32 s23, s12;
	s7 =	sadd.s32 s23, s20  }
0xe: {  	[tilespmem:s8], [sflag:$0x1] =	stream.linear.gather [hbm4b:s4+s2], $0xC000, $0x38;
	v63 =	vld [tilespmem:$0x0]  }
0xf: {  	[spmem:s11], [sflag:s6] =	dma.local [hbm:s5], $0x800  }
0x10: {  	[spmem:s9], [sflag:s6] =	dma.local [hbm:s7], $0x800  }
0x11: {  	_ =	swait.ge [sflag:s10], $0x800  }
0x12: {  	s13 =	simm.s32 $0x1;
	[sflag:s10] =	ssyncset.done $0x0  }
0x13: {  	s14 =	sor.u32 $0x1C04, s14;
	s12 =	sadd.s32 s28, s12;
	[sflag:s10] =	ssyncadd.s32 $0xFFFFF800  }
0x14: {  	[hbm:s12], [sflag:s14] =	dma.local [spmem:s11], $0x800  }
0x15: {  	_ =	swait.ge [sflag:s13], $0xC000  }
0x16: {  	[sflag:s13] =	ssyncset.done $0x0  }
0x17: {  	s15 =	simm.s32 $0x4;
	s16 =	sadd.s32 s28, s24;
	[sflag:s13] =	ssyncadd.s32 $0xFFFF4000  }
0x18: {  	[hbm4b:s16+s2] =	stream.linear.scatter [tilespmem:s2], [sflag:$0x2], $0xC000, $0x38;
	v63 =	vld [tilespmem:$0x0]  }
0x19: {  	_ =	swait.ge [sflag:s15], $0x800  }
0x1a: {  	s25 =	sor.u32 $0x7000, s24;
	[sflag:s15] =	ssyncset.done $0x0  }
0x1b: {  	s18 =	simm.s32 $0x2;
	s17 =	sadd.s32 s23, s25;
	[sflag:s15] =	ssyncadd.s32 $0xFFFFF800  }
0x1c: {  	[spmem:s11], [sflag:s6] =	dma.local [hbm:s17], $0x800  }
0x1d: {  	_ =	swait.ge [sflag:s18], $0xC000  }
0x1e: {  	s26 =	sor.u32 $0x3000, s24;
	[sflag:s18] =	ssyncset.done $0x0  }
0x1f: {  	s19 =	sadd.s32 s23, s26;
	[sflag:s18] =	ssyncadd.s32 $0xFFFF4000  }
0x20: {  	[tilespmem:s2], [sflag:$0x1] =	stream.linear.gather [hbm4b:s19+s2], $0xC000, $0x38;
	v63 =	vld [tilespmem:$0x0]  }
0x21: {  	_ =	swait.ge [sflag:s10], $0x800  }
0x22: {  	[sflag:s10] =	ssyncset.done $0x0  }
0x23: {  	s20 =	sadd.s32 s28, s20;
	[sflag:s10] =	ssyncadd.s32 $0xFFFFF800  }
0x24: {  	[hbm:s20], [sflag:s14] =	dma.local [spmem:s9], $0x800  }
0x25: {  	_ =	swait.ge [sflag:s13], $0xC000  }
0x26: {  	[sflag:s13] =	ssyncset.done $0x0  }
0x27: {  	s21 =	sadd.s32 s28, s21;
	[sflag:s13] =	ssyncadd.s32 $0xFFFF4000  }
0x28: {  	[hbm4b:s21+s2] =	stream.linear.scatter [tilespmem:s8], [sflag:$0x2], $0xC000, $0x38;
	v63 =	vld [tilespmem:$0x0]  }
0x29: {  	_ =	swait.ge [sflag:s15], $0x800  }
0x2a: {  	s30 =	sor.u32 $0x7800, s24;
	[sflag:s15] =	ssyncset.done $0x0  }
0x2b: {  	s22 =	sadd.s32 s23, s30;
	[sflag:s15] =	ssyncadd.s32 $0xFFFFF800  }
0x2c: {  	[spmem:s9], [sflag:s6] =	dma.local [hbm:s22], $0x800  }
0x2d: {  	_ =	swait.ge [sflag:s18], $0xC000  }
0x2e: {  	s31 =	sor.u32 $0x4800, s24;
	[sflag:s18] =	ssyncset.done $0x0  }
0x2f: {  	s23 =	sadd.s32 s23, s31;
	[sflag:s18] =	ssyncadd.s32 $0xFFFF4000  }
0x30: {  	[tilespmem:s8], [sflag:$0x1] =	stream.linear.gather [hbm4b:s23+s2], $0xC000, $0x38;
	v63 =	vld [tilespmem:$0x0]  }
0x31: {  	_ =	swait.ge [sflag:s10], $0x800  }
0x32: {  	[sflag:s10] =	ssyncset.done $0x0  }
0x33: {  	s24 =	sadd.s32 s28, s25;
	[sflag:s10] =	ssyncadd.s32 $0xFFFFF800  }
0x34: {  	[hbm:s24], [sflag:s14] =	dma.local [spmem:s11], $0x800  }
0x35: {  	_ =	swait.ge [sflag:s13], $0xC000  }
0x36: {  	[sflag:s13] =	ssyncset.done $0x0  }
0x37: {  	s25 =	sadd.s32 s28, s26;
	[sflag:s13] =	ssyncadd.s32 $0xFFFF4000  }
0x38: {  	[hbm4b:s25+s2] =	stream.linear.scatter [tilespmem:s2], [sflag:$0x2], $0xC000, $0x38;
	v63 =	vld [tilespmem:$0x0]  }
0x39: {  	_ =	swait.ge [sflag:s10], $0x800  }
0x3a: {  	[sflag:s10] =	ssyncset.done $0x0  }
0x3b: {  	s26 =	sadd.s32 s28, s30;
	[sflag:s10] =	ssyncadd.s32 $0xFFFFF800  }
0x3c: {  	[hbm:s26], [sflag:s14] =	dma.local [spmem:s9], $0x800  }
0x3d: {  	_ =	swait.ge [sflag:s13], $0xC000  }
0x3e: {  	[sflag:s13] =	ssyncset.done $0x0  }
0x3f: {  	s28 =	sadd.s32 s28, s31;
	[sflag:s13] =	ssyncadd.s32 $0xFFFF4000  }
0x40: {  	[hbm4b:s28+s2] =	stream.linear.scatter [tilespmem:s8], [sflag:$0x2], $0xC000, $0x38;
	v63 =	vld [tilespmem:$0x0]  }
0x41: {  	_ =	swait.ge [sflag:s18], $0xC000  }
0x42: {  	s29 =	ssub.s32 $0x2, s29;
	[sflag:s18] =	ssyncset.done $0x0  }
0x43: {  	s31 =	sshrl.u32 s29, $0x1;
	[sflag:s18] =	ssyncadd.s32 $0xFFFF4000  }
0x44: {  	s29 =	ssub.s32 s29, s31;
	_ =	swait.ge [sflag:s18], $0xC000  }
0x45: {  	s29 =	smax.u32 s29, $0x1;
	[sflag:s18] =	ssyncset.done $0x0  }
0x46: {  	p0 =	sne.s32 s29, $0x1;
	[sflag:s18] =	ssyncadd.s32 $0xFFFF4000  }
.Ltmp0:
0x47: {  	_ =	swait.ge [sflag:s15], $0x800;
	(pc) =	sbr.rel @!p0 .LBB2_2-.Ltmp0, $4  }
0x48: {  	[sflag:s15] =	ssyncset.done $0x0  }
0x49: {  	[sflag:s15] =	ssyncadd.s32 $0xFFFFF800  }
0x4a: {  	_ =	swait.ge [sflag:s15], $0x800  }
0x4b: {  	s29 =	sadd.s32 $0xFFFFFFFF, s29;
	[sflag:s15] =	ssyncset.done $0x0  }
.LBB2_1:
0x4c: {  	p0 =	sne.s32 s29, $0x1;
	s29 =	sadd.s32 $0xFFFFFFFF, s29;
	[sflag:s15] =	ssyncadd.s32 $0xFFFFF800  }
0x4d: {  	[tilespmem:s2], [sflag:$0x1] =	stream.linear.gather [hbm4b:s3+s2], $0xC000, $0x38;
	v63 =	vld [tilespmem:$0x0]  }
0x4e: {  	_ = 	snop  }
0x4f: {  	[tilespmem:s8], [sflag:$0x1] =	stream.linear.gather [hbm4b:s4+s2], $0xC000, $0x38;
	v63 =	vld [tilespmem:$0x0]  }
0x50: {  	[spmem:s11], [sflag:s6] =	dma.local [hbm:s5], $0x800  }
0x51: {  	[spmem:s9], [sflag:s6] =	dma.local [hbm:s7], $0x800  }
0x52: {  	_ =	swait.ge [sflag:s10], $0x800  }
0x53: {  	[sflag:s10] =	ssyncset.done $0x0  }
0x54: {  	[sflag:s10] =	ssyncadd.s32 $0xFFFFF800  }
0x55: {  	[hbm:s12], [sflag:s14] =	dma.local [spmem:s11], $0x800  }
0x56: {  	_ =	swait.ge [sflag:s13], $0xC000  }
0x57: {  	[sflag:s13] =	ssyncset.done $0x0  }
0x58: {  	[sflag:s13] =	ssyncadd.s32 $0xFFFF4000  }
0x59: {  	[hbm4b:s16+s2] =	stream.linear.scatter [tilespmem:s2], [sflag:$0x2], $0xC000, $0x38;
	v63 =	vld [tilespmem:$0x0]  }
0x5a: {  	_ =	swait.ge [sflag:s15], $0x800  }
0x5b: {  	[sflag:s15] =	ssyncset.done $0x0  }
0x5c: {  	[sflag:s15] =	ssyncadd.s32 $0xFFFFF800  }
0x5d: {  	[spmem:s11], [sflag:s6] =	dma.local [hbm:s17], $0x800  }
0x5e: {  	_ =	swait.ge [sflag:s18], $0xC000  }
0x5f: {  	[sflag:s18] =	ssyncset.done $0x0  }
0x60: {  	[sflag:s18] =	ssyncadd.s32 $0xFFFF4000  }
0x61: {  	[tilespmem:s2], [sflag:$0x1] =	stream.linear.gather [hbm4b:s19+s2], $0xC000, $0x38;
	v63 =	vld [tilespmem:$0x0]  }
0x62: {  	_ =	swait.ge [sflag:s10], $0x800  }
0x63: {  	[sflag:s10] =	ssyncset.done $0x0  }
0x64: {  	[sflag:s10] =	ssyncadd.s32 $0xFFFFF800  }
0x65: {  	[hbm:s20], [sflag:s14] =	dma.local [spmem:s9], $0x800  }
0x66: {  	_ =	swait.ge [sflag:s13], $0xC000  }
0x67: {  	[sflag:s13] =	ssyncset.done $0x0  }
0x68: {  	[sflag:s13] =	ssyncadd.s32 $0xFFFF4000  }
0x69: {  	[hbm4b:s21+s2] =	stream.linear.scatter [tilespmem:s8], [sflag:$0x2], $0xC000, $0x38;
	v63 =	vld [tilespmem:$0x0]  }
0x6a: {  	_ =	swait.ge [sflag:s15], $0x800  }
0x6b: {  	[sflag:s15] =	ssyncset.done $0x0  }
0x6c: {  	[sflag:s15] =	ssyncadd.s32 $0xFFFFF800  }
0x6d: {  	[spmem:s9], [sflag:s6] =	dma.local [hbm:s22], $0x800  }
0x6e: {  	_ =	swait.ge [sflag:s18], $0xC000  }
0x6f: {  	[sflag:s18] =	ssyncset.done $0x0  }
0x70: {  	[sflag:s18] =	ssyncadd.s32 $0xFFFF4000  }
0x71: {  	[tilespmem:s8], [sflag:$0x1] =	stream.linear.gather [hbm4b:s23+s2], $0xC000, $0x38;
	v63 =	vld [tilespmem:$0x0]  }
0x72: {  	_ =	swait.ge [sflag:s10], $0x800  }
0x73: {  	[sflag:s10] =	ssyncset.done $0x0  }
0x74: {  	[sflag:s10] =	ssyncadd.s32 $0xFFFFF800  }
0x75: {  	[hbm:s24], [sflag:s14] =	dma.local [spmem:s11], $0x800  }
0x76: {  	_ =	swait.ge [sflag:s13], $0xC000  }
0x77: {  	[sflag:s13] =	ssyncset.done $0x0  }
0x78: {  	[sflag:s13] =	ssyncadd.s32 $0xFFFF4000  }
0x79: {  	[hbm4b:s25+s2] =	stream.linear.scatter [tilespmem:s2], [sflag:$0x2], $0xC000, $0x38;
	v63 =	vld [tilespmem:$0x0]  }
0x7a: {  	_ =	swait.ge [sflag:s10], $0x800  }
0x7b: {  	[sflag:s10] =	ssyncset.done $0x0  }
0x7c: {  	[sflag:s10] =	ssyncadd.s32 $0xFFFFF800  }
0x7d: {  	[hbm:s26], [sflag:s14] =	dma.local [spmem:s9], $0x800  }
0x7e: {  	_ =	swait.ge [sflag:s13], $0xC000  }
0x7f: {  	[sflag:s13] =	ssyncset.done $0x0  }
0x80: {  	[sflag:s13] =	ssyncadd.s32 $0xFFFF4000  }
0x81: {  	[hbm4b:s28+s2] =	stream.linear.scatter [tilespmem:s8], [sflag:$0x2], $0xC000, $0x38;
	v63 =	vld [tilespmem:$0x0]  }
0x82: {  	_ =	swait.ge [sflag:s18], $0xC000  }
0x83: {  	[sflag:s18] =	ssyncset.done $0x0  }
0x84: {  	[sflag:s18] =	ssyncadd.s32 $0xFFFF4000  }
0x85: {  	_ =	swait.ge [sflag:s18], $0xC000  }
0x86: {  	[sflag:s18] =	ssyncset.done $0x0  }
0x87: {  	[sflag:s18] =	ssyncadd.s32 $0xFFFF4000  }
.Ltmp1:
0x88: {  	_ =	swait.ge [sflag:s15], $0x800;
	(pc) =	sbr.rel @p0 .LBB2_1-.Ltmp1, $4  }
0x89: {  	[sflag:s15] =	ssyncset.done $0x0  }
0x8a: {  	[sflag:s15] =	ssyncadd.s32 $0xFFFFF800  }
0x8b: {  	_ =	swait.ge [sflag:s15], $0x800  }
0x8c: {  	[sflag:s15] =	ssyncset.done $0x0  }
.LBB2_2:
0x8d: {  	[sflag:s15] =	ssyncadd.s32 $0xFFFFF800  }
0x8e: {  	_ =	sfence.sel $0x180000  }
0x8f: {  	[bflag:$0x0] =	sbarrier.arrive $0xFFFF  }
0x90: {  	p0 =	sne.s32 s1, $0x0;
	_ =	strace $0x90000047  }
0x91: {  	s0 =	sadd.s32 @!p0 $0x100000, s0;
	[bflag:$0x2] =	sbarrier.arrive $0xFFFF  }
0x92: {  	[sflag:s0] =	ssyncadd.tile.s32 @!p0 $0x1;
	_ =	shalt  }
.Lfunc_end2:
_tile_overlayer_lowered:
.L_overlay_start_2:
0x93: {  	(tag) =	ssettag $0x2  }
0x94: {  	s0 =	rddreg [dreg:$0x0];
	s2 =	stileid.u32  }
0x95: {  	s1 =	rddreg [dreg:$0x1];
	p0 =	sne.s32 s2, $0x0  }
0x96: {  	s3 =	rddreg [dreg:$0x2];
	[bflag:$0x3] =	sbarrier.arrive $0xFFFF;
	s2 =	simm.s32 @!p0 $0x1C05  }
0x97: {  	[timem:s3], [sflag:s2] =	dma.local @!p0 [hbm:s0], s1  }
0x98: {  	s0 =	simm.s32 @!p0 $0x5  }
0x99: {  	_ =	swait.ge @!p0 [sflag:s0], s1  }
0x9a: {  	s1 =	ssub.s32 @!p0 $0x0, s1;
	[sflag:s0] =	ssyncset.done @!p0 $0x0  }
0x9b: {  	[sflag:s0] =	ssyncadd.s32 @!p0 s1  }
0x9c: {  	[bflag:$0x3] =	sbarrier.arrive $0xFFFF  }
0x9d: {  	_ =	shalt  }

</sc_bundles>
